<compile_context>
chip_gen: v7x
topology: tpu7x:2x2x1
jax: 0.10.2.dev20260603
libtpu: 0.0.44.dev20260713+nightly
codegen_flags: <defaults>
</compile_context>

<pallas_src>
import functools

import jax
import jax.numpy as jnp
from jax import lax
from jax.experimental import pallas as pl
from jax.experimental.pallas import tpu as pltpu
from jax.experimental.pallas import tpu_sc as plsc

_GRP = 4
_ROW = 2 * _GRP
_NGRP = 16
_SPAD = 64
_L = 16



def _fold_body(w1t_ref, w2_ref, w3_ref, b1_ref, b2_ref, b3_ref,
               wr_ref, beff_ref):
    w23 = jnp.dot(w2_ref[...], w3_ref[...], preferred_element_type=jnp.float32)
    wr_ref[...] = jnp.dot(w1t_ref[...], w23,
                          preferred_element_type=jnp.float32)
    beff_ref[...] = (
        jnp.dot(b1_ref[...], w23, preferred_element_type=jnp.float32)
        + jnp.dot(b2_ref[...], w3_ref[...], preferred_element_type=jnp.float32)
        + b3_ref[...])


def _fold_weights(w1t, w2, w3, b1, b2, b3):
    k, cat = w1t.shape[0], w3.shape[1]
    return pl.pallas_call(
        _fold_body,
        out_shape=(jax.ShapeDtypeStruct((k, cat), jnp.float32),
                   jax.ShapeDtypeStruct((1, cat), jnp.float32)),
    )(w1t, w2, w3, b1.reshape(1, -1), b2.reshape(1, -1), b3.reshape(1, -1))



def _ptab_body(emb_ref, t_ref, p_ref):
    p_ref[...] = jnp.dot(emb_ref[...].astype(jnp.float32), t_ref[...],
                         preferred_element_type=jnp.float32)


def _pair_table(emb, t):
    v, e = emb.shape
    n = t.shape[1]
    vb = 10000
    return pl.pallas_call(
        _ptab_body,
        grid=(v // vb,),
        in_specs=[pl.BlockSpec((vb, e), lambda i: (i, 0)),
                  pl.BlockSpec((e, n), lambda i: (0, 0))],
        out_specs=pl.BlockSpec((vb, n), lambda i: (i, 0)),
        out_shape=jax.ShapeDtypeStruct((v, n), jnp.float32),
    )(emb, t)



def _idx_body(seq, x_ref, o_ref):
    blk = o_ref.shape[0]
    s = lax.broadcasted_iota(jnp.int32, (blk, seq), 1)
    xi = x_ref[...].astype(jnp.int32)
    real = xi * _NGRP + s // _GRP
    if _SPAD > seq:
        pad = xi[:, :_SPAD - seq] * _NGRP + 13
        real = jnp.concatenate([real, pad], axis=1)
    o_ref[...] = real


def _make_idx(x):
    b, seq = x.shape
    blk = 2048
    return pl.pallas_call(
        functools.partial(_idx_body, seq),
        grid=(b // blk,),
        in_specs=[pl.BlockSpec((blk, seq), lambda i: (i, 0))],
        out_specs=pl.BlockSpec((blk, _SPAD), lambda i: (i, 0)),
        out_shape=jax.ShapeDtypeStruct((b, _SPAD), jnp.int32),
    )(x)



def _sc_body(num_chunks, chunk, per_w, nc,
             idx_hbm, table_hbm, out_hbm, idxv, rows_v, sem):
    wid = lax.axis_index("s") * nc + lax.axis_index("c")
    base = wid * per_w

    def step(i, carry):
        off = base + i * chunk
        pltpu.sync_copy(idx_hbm.at[pl.ds(off, chunk)], idxv)
        pltpu.async_copy(table_hbm.at[idxv], rows_v, sem).wait()
        pltpu.sync_copy(rows_v, out_hbm.at[pl.ds(off, chunk)])
        return carry

    lax.fori_loop(0, num_chunks, step, 0)


def _sc_gather(idx_flat, table):
    total = idx_flat.shape[0]
    info = plsc.get_sparse_core_info()
    nc, ns = info.num_cores, info.num_subcores
    per_w = total // (nc * ns)
    chunk = 6400 if per_w % 6400 == 0 else 8192
    mesh = plsc.VectorSubcoreMesh(core_axis_name="c", subcore_axis_name="s")

    kern = functools.partial(
        pl.kernel,
        mesh=mesh,
        compiler_params=pltpu.CompilerParams(use_tc_tiling_on_sc=False),
        out_type=jax.ShapeDtypeStruct((total, _ROW), jnp.float32),
        scratch_types=[
            pltpu.VMEM((chunk,), jnp.int32),
            pltpu.VMEM((chunk, _ROW), jnp.float32),
            pltpu.SemaphoreType.DMA,
        ],
    )(functools.partial(_sc_body, per_w // chunk, chunk, per_w, nc))
    return kern(idx_flat, table)



def _out_body(cat, seq, r_ref, beff_ref, o_ref):
    n = r_ref.shape[1]
    q = lax.broadcasted_iota(jnp.int32, (n, cat), 0)
    col = lax.broadcasted_iota(jnp.int32, (n, cat), 1)
    s, j = q // _ROW, q % _ROW
    sel = ((s < seq) & (j == 2 * (s % _GRP) + col)).astype(jnp.float32)
    h = jnp.dot(r_ref[...], sel, preferred_element_type=jnp.float32)
    o_ref[...] = jax.nn.sigmoid(h + beff_ref[...])


def _reduce_out(r2, beff, seq):
    b, n = r2.shape
    cat = beff.shape[1]
    blk = 2048
    return pl.pallas_call(
        functools.partial(_out_body, cat, seq),
        grid=(b // blk,),
        in_specs=[pl.BlockSpec((blk, n), lambda i: (i, 0)),
                  pl.BlockSpec((1, cat), lambda i: (0, 0))],
        out_specs=pl.BlockSpec((blk, cat), lambda i: (i, 0)),
        out_shape=jax.ShapeDtypeStruct((b, cat), jnp.float32),
    )(r2, beff)


def kernel(x, emb, W1, b1, W2, b2, W3, b3):
    b, seq = x.shape
    v, e = emb.shape
    cat = W3.shape[1]
    w1t = W1.reshape(seq, e, W1.shape[1]).transpose(1, 0, 2).reshape(
        e * seq, W1.shape[1])
    wr, beff = _fold_weights(w1t, W2, W3, b1, b2, b3)
    wr3 = wr.reshape(e, seq, cat)
    wr3 = jnp.pad(wr3, ((0, 0), (0, _NGRP * _GRP - seq), (0, 0)))
    t128 = wr3.reshape(e, _NGRP * _ROW)
    p = _pair_table(emb.astype(jnp.bfloat16), t128)
    pairs = p.reshape(v * _NGRP, _ROW)
    nsplit = 2
    bh = b // nsplit
    outs = []
    for h in range(nsplit):
        idx = _make_idx(x[h * bh:(h + 1) * bh]).reshape(-1)
        r = _sc_gather(idx, pairs)
        r512 = r.reshape(bh, _SPAD * _ROW)
        outs.append(_reduce_out(r512, beff, seq))
    return jnp.concatenate(outs, axis=0)

# --- scband reference (transcript-rebuilt; emitter-appended) ---
"""Pipeline reference for scband-dnn-61108794688033 (READ-ONLY COPY).

The authoritative reference and input builder live on the scoring server;
editing this copy changes nothing except your own understanding.
"""

import jax, jax.numpy as jnp
import numpy as np

VOCAB = 100000
EMB = 50
SEQ = 50
B = 16384
CAT = 2


def setup_inputs(seed: int = 0) -> dict:
    key = jax.random.key(seed)
    ks = jax.random.split(key, 8)
    x = jax.random.randint(ks[0], (B, SEQ), 0, VOCAB)
    emb = jax.random.normal(ks[1], (VOCAB, EMB), dtype=jnp.float32) * 0.02
    W1 = jax.random.normal(ks[2], (SEQ * EMB, 30), dtype=jnp.float32) * 0.02
    b1 = jnp.zeros((30,), dtype=jnp.float32)
    W2 = jax.random.normal(ks[3], (30, 10), dtype=jnp.float32) * 0.02
    b2 = jnp.zeros((10,), dtype=jnp.float32)
    W3 = jax.random.normal(ks[4], (10, CAT), dtype=jnp.float32) * 0.02
    b3 = jnp.zeros((CAT,), dtype=jnp.float32)
    return {"x": x, "emb": emb, "W1": W1, "b1": b1, "W2": W2, "b2": b2, "W3": W3, "b3": b3}


def reference(x, emb, W1, b1, W2, b2, W3, b3):
    # embedding lookup: [B, SEQ] -> [B, SEQ, EMB]
    h = jnp.take(emb, x, axis=0)
    # view(-1, 50*50)
    h = h.reshape(-1, SEQ * EMB)
    h = h @ W1 + b1
    h = h @ W2 + b2
    h = h @ W3 + b3
    return jax.nn.sigmoid(h)

if __name__ == "__main__":
    import jax
    _d = setup_inputs()
    print(jax.jit(kernel)(*tuple(_d.values())))

</pallas_src>

<mosaic_0001>
#map = affine_map<(d0, d1) -> (0)>
#map1 = affine_map<(d0, d1) -> (0, 0)>
module attributes {stable_mosaic.version = 14 : i64} {
  func.func @_sc_body(%arg0: i32, %arg1: i32, %arg2: memref<524288xi32, #tpu.memory_space<hbm>>, %arg3: memref<1600000x8xf32, #tpu.memory_space<hbm>>, %arg4: memref<524288x8xf32, #tpu.memory_space<hbm>>, %arg5: memref<8192xi32, #tpu.memory_space<vmem>>, %arg6: memref<8192x8xf32, #tpu.memory_space<vmem>>, %arg7: memref<!tpu.dma_semaphore, #tpu.memory_space<semaphore_mem>>) attributes {dimension_semantics = [#tpu.dimension_semantics<core_parallel>, #tpu.dimension_semantics<subcore_parallel>], iteration_bounds = array<i64: 2, 16>, scalar_prefetch = 0 : i64, scratch_operands = 3 : i64, tpu.core_type = #tpu.core_type<sc_vector_subcore>, window_params = [{transform_indices = #map}, {transform_indices = #map1}, {transform_indices = #map1}]} {
    %mul3A = arith.constant 2 : i32
    %mul3A_0 = arith.muli %arg1, %mul3A : i32
    %add3A = arith.addi %mul3A_0, %arg0 : i32
    %mul3A_1 = arith.constant 16384 : i32
    %mul3A_2 = arith.muli %add3A, %mul3A_1 : i32
    %scan3A = arith.constant 0 : i32
    %scan3A_3 = arith.constant 0 : i32
    %scan3A_4 = arith.constant 2 : i32
    %scan3A_5 = arith.addi %scan3A_3, %scan3A_4 : i32
    %scan3A_6 = arith.constant 1 : i32
    scf.for %scan3A_8 = %scan3A_3 to %scan3A_5 step %scan3A_6  : i32 {
      %mul3A_9 = arith.constant 8192 : i32
      %mul3A_10 = arith.muli %scan3A_8, %mul3A_9 : i32
      %add3A_11 = arith.addi %mul3A_2, %mul3A_10 : i32
      "tpu.region"() ({
        %run_scoped3A = tpu.sem_alloc : memref<!tpu.dma_semaphore, #tpu.memory_space<semaphore_mem>>
        %dma_start3A_16 = tpu.memref_slice %arg2[%add3A_11] : memref<524288xi32, #tpu.memory_space<hbm>> -> memref<8192xi32, #tpu.memory_space<hbm>>
        %dma_start3A_17 = tpu.memref_slice %arg2[%add3A_11] : memref<524288xi32, #tpu.memory_space<hbm>> -> memref<8192xi32, #tpu.memory_space<hbm>>
        tpu.enqueue_dma source(%dma_start3A_17 : memref<8192xi32, #tpu.memory_space<hbm>>) target(%arg5 : memref<8192xi32, #tpu.memory_space<vmem>>) target_semaphore(%run_scoped3A : memref<!tpu.dma_semaphore, #tpu.memory_space<semaphore_mem>>)
        %dma_wait3A_18 = tpu.memref_slice %arg2[%add3A_11] : memref<524288xi32, #tpu.memory_space<hbm>> -> memref<8192xi32, #tpu.memory_space<hbm>>
        %dma_wait3A_19 = tpu.memref_slice %arg2[%add3A_11] : memref<524288xi32, #tpu.memory_space<hbm>> -> memref<8192xi32, #tpu.memory_space<hbm>>
        tpu.wait_dma2 semaphore(%run_scoped3A : memref<!tpu.dma_semaphore, #tpu.memory_space<semaphore_mem>>) src(%dma_wait3A_19 : memref<8192xi32, #tpu.memory_space<hbm>>) dst(%arg5 : memref<8192xi32, #tpu.memory_space<vmem>>)
        tpu.yield
      }) : () -> ()
      %dma_start3A = arith.constant 0 : i32
      %dma_start3A_12 = arith.constant 0 : i32
      %dma_start3A_13 = tpu.memref_slice %arg3[%dma_start3A, %dma_start3A_12] : memref<1600000x8xf32, #tpu.memory_space<hbm>> -> memref<1600000x8xf32, #tpu.memory_space<hbm>>
      tpu.enqueue_indirect_dma source(%dma_start3A_13 : memref<1600000x8xf32, #tpu.memory_space<hbm>>) target(%arg6 : memref<8192x8xf32, #tpu.memory_space<vmem>>) offsets(%arg5 : memref<8192xi32, #tpu.memory_space<vmem>>) semaphore(%arg7 : memref<!tpu.dma_semaphore, #tpu.memory_space<semaphore_mem>>)
      %dma_wait3A = arith.constant 0 : i32
      %dma_wait3A_14 = arith.constant 0 : i32
      %dma_wait3A_15 = tpu.memref_slice %arg3[%dma_wait3A, %dma_wait3A_14] : memref<1600000x8xf32, #tpu.memory_space<hbm>> -> memref<1600000x8xf32, #tpu.memory_space<hbm>>
      tpu.wait_indirect_dma semaphore(%arg7 : memref<!tpu.dma_semaphore, #tpu.memory_space<semaphore_mem>>) src(%dma_wait3A_15 : memref<1600000x8xf32, #tpu.memory_space<hbm>>) dst(%arg6 : memref<8192x8xf32, #tpu.memory_space<vmem>>)
      "tpu.region"() ({
        %run_scoped3A = tpu.sem_alloc : memref<!tpu.dma_semaphore, #tpu.memory_space<semaphore_mem>>
        %dma_start3A_16 = arith.constant 0 : i32
        %dma_start3A_17 = tpu.memref_slice %arg4[%add3A_11, %dma_start3A_16] : memref<524288x8xf32, #tpu.memory_space<hbm>> -> memref<8192x8xf32, #tpu.memory_space<hbm>>
        %dma_start3A_18 = arith.constant 0 : i32
        %dma_start3A_19 = tpu.memref_slice %arg4[%add3A_11, %dma_start3A_18] : memref<524288x8xf32, #tpu.memory_space<hbm>> -> memref<8192x8xf32, #tpu.memory_space<hbm>>
        tpu.enqueue_dma source(%arg6 : memref<8192x8xf32, #tpu.memory_space<vmem>>) target(%dma_start3A_19 : memref<8192x8xf32, #tpu.memory_space<hbm>>) target_semaphore(%run_scoped3A : memref<!tpu.dma_semaphore, #tpu.memory_space<semaphore_mem>>)
        %dma_wait3A_20 = arith.constant 0 : i32
        %dma_wait3A_21 = tpu.memref_slice %arg4[%add3A_11, %dma_wait3A_20] : memref<524288x8xf32, #tpu.memory_space<hbm>> -> memref<8192x8xf32, #tpu.memory_space<hbm>>
        %dma_wait3A_22 = arith.constant 0 : i32
        %dma_wait3A_23 = tpu.memref_slice %arg4[%add3A_11, %dma_wait3A_22] : memref<524288x8xf32, #tpu.memory_space<hbm>> -> memref<8192x8xf32, #tpu.memory_space<hbm>>
        tpu.wait_dma2 semaphore(%run_scoped3A : memref<!tpu.dma_semaphore, #tpu.memory_space<semaphore_mem>>) src(%arg6 : memref<8192x8xf32, #tpu.memory_space<vmem>>) dst(%dma_wait3A_23 : memref<8192x8xf32, #tpu.memory_space<hbm>>)
        tpu.yield
      }) : () -> ()
    }
    %scan3A_7 = arith.constant 2 : i32
    return
  }
}

#map = affine_map<(d0, d1) -> (0)>
#map1 = affine_map<(d0, d1) -> (0, 0)>
module attributes {stable_mosaic.version = 14 : i64} {
  func.func @_sc_body(%arg0: i32, %arg1: i32, %arg2: memref<524288xi32, #tpu.memory_space<hbm>>, %arg3: memref<1600000x8xf32, #tpu.memory_space<hbm>>, %arg4: memref<524288x8xf32, #tpu.memory_space<hbm>>, %arg5: memref<8192xi32, #tpu.memory_space<vmem>>, %arg6: memref<8192x8xf32, #tpu.memory_space<vmem>>, %arg7: memref<!tpu.dma_semaphore, #tpu.memory_space<semaphore_mem>>) attributes {dimension_semantics = [#tpu.dimension_semantics<core_parallel>, #tpu.dimension_semantics<subcore_parallel>], iteration_bounds = array<i64: 2, 16>, scalar_prefetch = 0 : i64, scratch_operands = 3 : i64, tpu.core_type = #tpu.core_type<sc_vector_subcore>, window_params = [{transform_indices = #map}, {transform_indices = #map1}, {transform_indices = #map1}]} {
    %mul3A = arith.constant 2 : i32
    %mul3A_0 = arith.muli %arg1, %mul3A : i32
    %add3A = arith.addi %mul3A_0, %arg0 : i32
    %mul3A_1 = arith.constant 16384 : i32
    %mul3A_2 = arith.muli %add3A, %mul3A_1 : i32
    %scan3A = arith.constant 0 : i32
    %scan3A_3 = arith.constant 0 : i32
    %scan3A_4 = arith.constant 2 : i32
    %scan3A_5 = arith.addi %scan3A_3, %scan3A_4 : i32
    %scan3A_6 = arith.constant 1 : i32
    scf.for %scan3A_8 = %scan3A_3 to %scan3A_5 step %scan3A_6  : i32 {
      %mul3A_9 = arith.constant 8192 : i32
      %mul3A_10 = arith.muli %scan3A_8, %mul3A_9 : i32
      %add3A_11 = arith.addi %mul3A_2, %mul3A_10 : i32
      "tpu.region"() ({
        %run_scoped3A = tpu.sem_alloc : memref<!tpu.dma_semaphore, #tpu.memory_space<semaphore_mem>>
        %dma_start3A_16 = tpu.memref_slice %arg2[%add3A_11] : memref<524288xi32, #tpu.memory_space<hbm>> -> memref<8192xi32, #tpu.memory_space<hbm>>
        %dma_start3A_17 = tpu.memref_slice %arg2[%add3A_11] : memref<524288xi32, #tpu.memory_space<hbm>> -> memref<8192xi32, #tpu.memory_space<hbm>>
        tpu.enqueue_dma source(%dma_start3A_17 : memref<8192xi32, #tpu.memory_space<hbm>>) target(%arg5 : memref<8192xi32, #tpu.memory_space<vmem>>) target_semaphore(%run_scoped3A : memref<!tpu.dma_semaphore, #tpu.memory_space<semaphore_mem>>)
        %dma_wait3A_18 = tpu.memref_slice %arg2[%add3A_11] : memref<524288xi32, #tpu.memory_space<hbm>> -> memref<8192xi32, #tpu.memory_space<hbm>>
        %dma_wait3A_19 = tpu.memref_slice %arg2[%add3A_11] : memref<524288xi32, #tpu.memory_space<hbm>> -> memref<8192xi32, #tpu.memory_space<hbm>>
        tpu.wait_dma2 semaphore(%run_scoped3A : memref<!tpu.dma_semaphore, #tpu.memory_space<semaphore_mem>>) src(%dma_wait3A_19 : memref<8192xi32, #tpu.memory_space<hbm>>) dst(%arg5 : memref<8192xi32, #tpu.memory_space<vmem>>)
        tpu.yield
      }) : () -> ()
      %dma_start3A = arith.constant 0 : i32
      %dma_start3A_12 = arith.constant 0 : i32
      %dma_start3A_13 = tpu.memref_slice %arg3[%dma_start3A, %dma_start3A_12] : memref<1600000x8xf32, #tpu.memory_space<hbm>> -> memref<1600000x8xf32, #tpu.memory_space<hbm>>
      tpu.enqueue_indirect_dma source(%dma_start3A_13 : memref<1600000x8xf32, #tpu.memory_space<hbm>>) target(%arg6 : memref<8192x8xf32, #tpu.memory_space<vmem>>) offsets(%arg5 : memref<8192xi32, #tpu.memory_space<vmem>>) semaphore(%arg7 : memref<!tpu.dma_semaphore, #tpu.memory_space<semaphore_mem>>)
      %dma_wait3A = arith.constant 0 : i32
      %dma_wait3A_14 = arith.constant 0 : i32
      %dma_wait3A_15 = tpu.memref_slice %arg3[%dma_wait3A, %dma_wait3A_14] : memref<1600000x8xf32, #tpu.memory_space<hbm>> -> memref<1600000x8xf32, #tpu.memory_space<hbm>>
      tpu.wait_indirect_dma semaphore(%arg7 : memref<!tpu.dma_semaphore, #tpu.memory_space<semaphore_mem>>) src(%dma_wait3A_15 : memref<1600000x8xf32, #tpu.memory_space<hbm>>) dst(%arg6 : memref<8192x8xf32, #tpu.memory_space<vmem>>)
      "tpu.region"() ({
        %run_scoped3A = tpu.sem_alloc : memref<!tpu.dma_semaphore, #tpu.memory_space<semaphore_mem>>
        %dma_start3A_16 = arith.constant 0 : i32
        %dma_start3A_17 = tpu.memref_slice %arg4[%add3A_11, %dma_start3A_16] : memref<524288x8xf32, #tpu.memory_space<hbm>> -> memref<8192x8xf32, #tpu.memory_space<hbm>>
        %dma_start3A_18 = arith.constant 0 : i32
        %dma_start3A_19 = tpu.memref_slice %arg4[%add3A_11, %dma_start3A_18] : memref<524288x8xf32, #tpu.memory_space<hbm>> -> memref<8192x8xf32, #tpu.memory_space<hbm>>
        tpu.enqueue_dma source(%arg6 : memref<8192x8xf32, #tpu.memory_space<vmem>>) target(%dma_start3A_19 : memref<8192x8xf32, #tpu.memory_space<hbm>>) target_semaphore(%run_scoped3A : memref<!tpu.dma_semaphore, #tpu.memory_space<semaphore_mem>>)
        %dma_wait3A_20 = arith.constant 0 : i32
        %dma_wait3A_21 = tpu.memref_slice %arg4[%add3A_11, %dma_wait3A_20] : memref<524288x8xf32, #tpu.memory_space<hbm>> -> memref<8192x8xf32, #tpu.memory_space<hbm>>
        %dma_wait3A_22 = arith.constant 0 : i32
        %dma_wait3A_23 = tpu.memref_slice %arg4[%add3A_11, %dma_wait3A_22] : memref<524288x8xf32, #tpu.memory_space<hbm>> -> memref<8192x8xf32, #tpu.memory_space<hbm>>
        tpu.wait_dma2 semaphore(%run_scoped3A : memref<!tpu.dma_semaphore, #tpu.memory_space<semaphore_mem>>) src(%arg6 : memref<8192x8xf32, #tpu.memory_space<vmem>>) dst(%dma_wait3A_23 : memref<8192x8xf32, #tpu.memory_space<hbm>>)
        tpu.yield
      }) : () -> ()
    }
    %scan3A_7 = arith.constant 2 : i32
    return
  }
}

module attributes {stable_mosaic.version = 14 : i64} {
  func.func @_fold_body(%arg0: memref<2500x30xf32, #tpu.memory_space<vmem>>, %arg1: memref<30x10xf32, #tpu.memory_space<vmem>>, %arg2: memref<10x2xf32, #tpu.memory_space<vmem>>, %arg3: memref<1x30xf32, #tpu.memory_space<vmem>>, %arg4: memref<1x10xf32, #tpu.memory_space<vmem>>, %arg5: memref<1x2xf32, #tpu.memory_space<vmem>>, %arg6: memref<2500x2xf32, #tpu.memory_space<vmem>>, %arg7: memref<1x2xf32, #tpu.memory_space<vmem>>) attributes {dimension_semantics = [], scalar_prefetch = 0 : i64, scratch_operands = 0 : i64, tpu.core_type = #tpu.core_type<tc>} {
    %get3A = arith.constant 0 : index
    %get3A_0 = arith.constant 0 : index
    %get3A_1 = vector.load %arg1[%get3A, %get3A_0] : memref<30x10xf32, #tpu.memory_space<vmem>>, vector<30x10xf32>
    %get3A_2 = arith.constant 0 : index
    %get3A_3 = arith.constant 0 : index
    %get3A_4 = vector.load %arg2[%get3A_2, %get3A_3] : memref<10x2xf32, #tpu.memory_space<vmem>>, vector<10x2xf32>
    %dot_general3A = arith.constant dense<0.000000e+00> : vector<30x2xf32>
    %dot_general3A_5 = tpu.matmul %get3A_1, %get3A_4, %dot_general3A {dimension_numbers = #tpu.dot_dimension_numbers<[1], [0], [0], [1], [0, 0, 1, 1], [], []>, transpose_lhs_hint = false} : vector<30x10xf32>, vector<10x2xf32>, vector<30x2xf32> -> vector<30x2xf32>
    %get3A_6 = arith.constant 0 : index
    %get3A_7 = arith.constant 0 : index
    %get3A_8 = vector.load %arg0[%get3A_6, %get3A_7] : memref<2500x30xf32, #tpu.memory_space<vmem>>, vector<2500x30xf32>
    %dot_general3A_9 = arith.constant dense<0.000000e+00> : vector<2500x2xf32>
    %dot_general3A_10 = tpu.matmul %get3A_8, %dot_general3A_5, %dot_general3A_9 {dimension_numbers = #tpu.dot_dimension_numbers<[1], [0], [0], [1], [0, 0, 1, 1], [], []>, transpose_lhs_hint = false} : vector<2500x30xf32>, vector<30x2xf32>, vector<2500x2xf32> -> vector<2500x2xf32>
    %swap3A = arith.constant 0 : index
    %swap3A_11 = arith.constant 0 : index
    %swap3A_12 = vector.load %arg6[%swap3A, %swap3A_11] : memref<2500x2xf32, #tpu.memory_space<vmem>>, vector<2500x2xf32>
    tpu.vector_store %arg6[%swap3A, %swap3A_11], %dot_general3A_10 {strides = array<i32>} : memref<2500x2xf32, #tpu.memory_space<vmem>>, vector<2500x2xf32>,
    %get3A_13 = arith.constant 0 : index
    %get3A_14 = arith.constant 0 : index
    %get3A_15 = vector.load %arg3[%get3A_13, %get3A_14] : memref<1x30xf32, #tpu.memory_space<vmem>>, vector<1x30xf32>
    %dot_general3A_16 = arith.constant dense<0.000000e+00> : vector<1x2xf32>
    %dot_general3A_17 = tpu.matmul %get3A_15, %dot_general3A_5, %dot_general3A_16 {dimension_numbers = #tpu.dot_dimension_numbers<[1], [0], [0], [1], [0, 0, 1, 1], [], []>, transpose_lhs_hint = false} : vector<1x30xf32>, vector<30x2xf32>, vector<1x2xf32> -> vector<1x2xf32>
    %get3A_18 = arith.constant 0 : index
    %get3A_19 = arith.constant 0 : index
    %get3A_20 = vector.load %arg4[%get3A_18, %get3A_19] : memref<1x10xf32, #tpu.memory_space<vmem>>, vector<1x10xf32>
    %get3A_21 = arith.constant 0 : index
    %get3A_22 = arith.constant 0 : index
    %get3A_23 = vector.load %arg2[%get3A_21, %get3A_22] : memref<10x2xf32, #tpu.memory_space<vmem>>, vector<10x2xf32>
    %dot_general3A_24 = arith.constant dense<0.000000e+00> : vector<1x2xf32>
    %dot_general3A_25 = tpu.matmul %get3A_20, %get3A_23, %dot_general3A_24 {dimension_numbers = #tpu.dot_dimension_numbers<[1], [0], [0], [1], [0, 0, 1, 1], [], []>, transpose_lhs_hint = false} : vector<1x10xf32>, vector<10x2xf32>, vector<1x2xf32> -> vector<1x2xf32>
    %add3A = arith.addf %dot_general3A_17, %dot_general3A_25 : vector<1x2xf32>
    %get3A_26 = arith.constant 0 : index
    %get3A_27 = arith.constant 0 : index
    %get3A_28 = vector.load %arg5[%get3A_26, %get3A_27] : memref<1x2xf32, #tpu.memory_space<vmem>>, vector<1x2xf32>
    %add3A_29 = arith.addf %add3A, %get3A_28 : vector<1x2xf32>
    %swap3A_30 = arith.constant 0 : index
    %swap3A_31 = arith.constant 0 : index
    %swap3A_32 = vector.load %arg7[%swap3A_30, %swap3A_31] : memref<1x2xf32, #tpu.memory_space<vmem>>, vector<1x2xf32>
    tpu.vector_store %arg7[%swap3A_30, %swap3A_31], %add3A_29 {strides = array<i32>} : memref<1x2xf32, #tpu.memory_space<vmem>>, vector<1x2xf32>,
    return
  }
}

module attributes {stable_mosaic.version = 14 : i64} {
  func.func @_idx_body(%arg0: i32, %arg1: memref<2048x50xi32, #tpu.memory_space<vmem>>, %arg2: memref<2048x64xi32, #tpu.memory_space<vmem>>) attributes {dimension_semantics = [#tpu.dimension_semantics<arbitrary>], iteration_bounds = array<i64: 4>, scalar_prefetch = 0 : i64, scratch_operands = 0 : i64, tpu.core_type = #tpu.core_type<tc>, window_params = [{transform_indices = @transform_0, window_bounds = array<i64: 2048, 50>}, {transform_indices = @transform_1, window_bounds = array<i64: 2048, 64>}]} {
    %iota3A = tpu.iota {dimensions = array<i32: 1>} : vector<2048x50xi32>
    %get3A = arith.constant 0 : index
    %get3A_0 = arith.constant 0 : index
    %get3A_1 = vector.load %arg1[%get3A, %get3A_0] : memref<2048x50xi32, #tpu.memory_space<vmem>>, vector<2048x50xi32>
    %mul3A = arith.constant 16 : i32
    %mul3A_2 = vector.broadcast %mul3A : i32 to vector<2048x50xi32>
    %mul3A_3 = arith.muli %get3A_1, %mul3A_2 : vector<2048x50xi32>
    %jit3A = arith.constant 4 : i32
    %div3A = vector.broadcast %jit3A : i32 to vector<2048x50xi32>
    %div3A_4 = arith.divsi %iota3A, %div3A : vector<2048x50xi32>
    %sign3A = arith.constant 0 : i32
    %sign3A_5 = vector.broadcast %sign3A : i32 to vector<2048x50xi32>
    %sign3A_6 = arith.cmpi sgt, %iota3A, %sign3A_5 : vector<2048x50xi32>
    %sign3A_7 = arith.extui %sign3A_6 : vector<2048x50xi1> to vector<2048x50xi32>
    %sign3A_8 = arith.constant 0 : i32
    %sign3A_9 = vector.broadcast %sign3A_8 : i32 to vector<2048x50xi32>
    %sign3A_10 = arith.cmpi slt, %iota3A, %sign3A_9 : vector<2048x50xi32>
    %sign3A_11 = arith.extui %sign3A_10 : vector<2048x50xi1> to vector<2048x50xi32>
    %sign3A_12 = arith.subi %sign3A_7, %sign3A_11 : vector<2048x50xi32>
    %sign3A_13 = arith.constant 0 : i32
    %sign3A_14 = arith.cmpi sgt, %jit3A, %sign3A_13 : i32
    %sign3A_15 = arith.extui %sign3A_14 : i1 to i32
    %sign3A_16 = arith.constant 0 : i32
    %sign3A_17 = arith.cmpi slt, %jit3A, %sign3A_16 : i32
    %sign3A_18 = arith.extui %sign3A_17 : i1 to i32
    %sign3A_19 = arith.subi %sign3A_15, %sign3A_18 : i32
    %ne3A = vector.broadcast %sign3A_19 : i32 to vector<2048x50xi32>
    %ne3A_20 = arith.cmpi ne, %sign3A_12, %ne3A : vector<2048x50xi32>
    %rem3A = vector.broadcast %jit3A : i32 to vector<2048x50xi32>
    %rem3A_21 = arith.remsi %iota3A, %rem3A : vector<2048x50xi32>
    %ne3A_22 = arith.constant 0 : i32
    %ne3A_23 = vector.broadcast %ne3A_22 : i32 to vector<2048x50xi32>
    %ne3A_24 = arith.cmpi ne, %rem3A_21, %ne3A_23 : vector<2048x50xi32>
    %and3A = arith.andi %ne3A_20, %ne3A_24 : vector<2048x50xi1>
    %sub3A = arith.constant 1 : i32
    %sub3A_25 = vector.broadcast %sub3A : i32 to vector<2048x50xi32>
    %sub3A_26 = arith.subi %div3A_4, %sub3A_25 : vector<2048x50xi32>
    %select_n3A = arith.select %and3A, %sub3A_26, %div3A_4 : vector<2048x50xi1>, vector<2048x50xi32>
    %add3A = arith.addi %mul3A_3, %select_n3A : vector<2048x50xi32>
    %slice3A = vector.extract_strided_slice %get3A_1 {offsets = [0, 0], sizes = [2048, 14], strides = [1, 1]} : vector<2048x50xi32> to vector<2048x14xi32>
    %mul3A_27 = arith.constant 16 : i32
    %mul3A_28 = vector.broadcast %mul3A_27 : i32 to vector<2048x14xi32>
    %mul3A_29 = arith.muli %slice3A, %mul3A_28 : vector<2048x14xi32>
    %add3A_30 = arith.constant 13 : i32
    %add3A_31 = vector.broadcast %add3A_30 : i32 to vector<2048x14xi32>
    %add3A_32 = arith.addi %mul3A_29, %add3A_31 : vector<2048x14xi32>
    %concatenate3A = tpu.concatenate %add3A, %add3A_32 in 1 : vector<2048x50xi32>, vector<2048x14xi32> -> vector<2048x64xi32>
    %swap3A = arith.constant 0 : index
    %swap3A_33 = arith.constant 0 : index
    %swap3A_34 = vector.load %arg2[%swap3A, %swap3A_33] : memref<2048x64xi32, #tpu.memory_space<vmem>>, vector<2048x64xi32>
    tpu.vector_store %arg2[%swap3A, %swap3A_33], %concatenate3A {strides = array<i32>} : memref<2048x64xi32, #tpu.memory_space<vmem>>, vector<2048x64xi32>,
    return
  }
  func.func @transform_0(%arg0: i32) -> (i32, i32) {
    %c0_i32 = arith.constant 0 : i32
    %c0_i32_0 = arith.constant 0 : i32
    return %arg0, %c0_i32 : i32, i32
  }
  func.func @transform_1(%arg0: i32) -> (i32, i32) {
    %c0_i32 = arith.constant 0 : i32
    %c0_i32_0 = arith.constant 0 : i32
    return %arg0, %c0_i32 : i32, i32
  }
}

module attributes {stable_mosaic.version = 14 : i64} {
  func.func @_ptab_body(%arg0: i32, %arg1: memref<10000x50xbf16, #tpu.memory_space<vmem>>, %arg2: memref<50x128xf32, #tpu.memory_space<vmem>>, %arg3: memref<10000x128xf32, #tpu.memory_space<vmem>>) attributes {dimension_semantics = [#tpu.dimension_semantics<arbitrary>], iteration_bounds = array<i64: 10>, scalar_prefetch = 0 : i64, scratch_operands = 0 : i64, tpu.core_type = #tpu.core_type<tc>, window_params = [{transform_indices = @transform_0, window_bounds = array<i64: 10000, 50>}, {pipeline_mode = #tpu.pipeline_mode<synchronous>, transform_indices = @transform_1, window_bounds = array<i64: 50, 128>}, {transform_indices = @transform_2, window_bounds = array<i64: 10000, 128>}]} {
    %get3A = arith.constant 0 : index
    %get3A_0 = arith.constant 0 : index
    %get3A_1 = vector.load %arg1[%get3A, %get3A_0] : memref<10000x50xbf16, #tpu.memory_space<vmem>>, vector<10000x50xbf16>
    %convert_element_type3A = arith.extf %get3A_1 : vector<10000x50xbf16> to vector<10000x50xf32>
    %get3A_2 = arith.constant 0 : index
    %get3A_3 = arith.constant 0 : index
    %get3A_4 = vector.load %arg2[%get3A_2, %get3A_3] : memref<50x128xf32, #tpu.memory_space<vmem>>, vector<50x128xf32>
    %dot_general3A = arith.constant dense<0.000000e+00> : vector<10000x128xf32>
    %dot_general3A_5 = tpu.matmul %convert_element_type3A, %get3A_4, %dot_general3A {dimension_numbers = #tpu.dot_dimension_numbers<[1], [0], [0], [1], [0, 0, 1, 1], [], []>, transpose_lhs_hint = false} : vector<10000x50xf32>, vector<50x128xf32>, vector<10000x128xf32> -> vector<10000x128xf32>
    %swap3A = arith.constant 0 : index
    %swap3A_6 = arith.constant 0 : index
    %swap3A_7 = vector.load %arg3[%swap3A, %swap3A_6] : memref<10000x128xf32, #tpu.memory_space<vmem>>, vector<10000x128xf32>
    tpu.vector_store %arg3[%swap3A, %swap3A_6], %dot_general3A_5 {strides = array<i32>} : memref<10000x128xf32, #tpu.memory_space<vmem>>, vector<10000x128xf32>,
    return
  }
  func.func @transform_0(%arg0: i32) -> (i32, i32) {
    %c0_i32 = arith.constant 0 : i32
    %c0_i32_0 = arith.constant 0 : i32
    return %arg0, %c0_i32 : i32, i32
  }
  func.func @transform_1(%arg0: i32) -> (i32, i32) {
    %c0_i32 = arith.constant 0 : i32
    %c0_i32_0 = arith.constant 0 : i32
    %c0_i32_1 = arith.constant 0 : i32
    return %c0_i32, %c0_i32_0 : i32, i32
  }
  func.func @transform_2(%arg0: i32) -> (i32, i32) {
    %c0_i32 = arith.constant 0 : i32
    %c0_i32_0 = arith.constant 0 : i32
    return %arg0, %c0_i32 : i32, i32
  }
}

module attributes {stable_mosaic.version = 14 : i64} {
  func.func @_out_body(%arg0: i32, %arg1: memref<2048x512xf32, #tpu.memory_space<vmem>>, %arg2: memref<1x2xf32, #tpu.memory_space<vmem>>, %arg3: memref<2048x2xf32, #tpu.memory_space<vmem>>) attributes {dimension_semantics = [#tpu.dimension_semantics<arbitrary>], iteration_bounds = array<i64: 4>, scalar_prefetch = 0 : i64, scratch_operands = 0 : i64, tpu.core_type = #tpu.core_type<tc>, window_params = [{transform_indices = @transform_0, window_bounds = array<i64: 2048, 512>}, {pipeline_mode = #tpu.pipeline_mode<synchronous>, transform_indices = @transform_1, window_bounds = array<i64: 1, 2>}, {transform_indices = @transform_2, window_bounds = array<i64: 2048, 2>}]} {
    %iota3A = tpu.iota {dimensions = array<i32: 0>} : vector<512x2xi32>
    %iota3A_0 = tpu.iota {dimensions = array<i32: 1>} : vector<512x2xi32>
    %jit3A = arith.constant 8 : i32
    %div3A = vector.broadcast %jit3A : i32 to vector<512x2xi32>
    %div3A_1 = arith.divsi %iota3A, %div3A : vector<512x2xi32>
    %sign3A = arith.constant 0 : i32
    %sign3A_2 = vector.broadcast %sign3A : i32 to vector<512x2xi32>
    %sign3A_3 = arith.cmpi sgt, %iota3A, %sign3A_2 : vector<512x2xi32>
    %sign3A_4 = arith.extui %sign3A_3 : vector<512x2xi1> to vector<512x2xi32>
    %sign3A_5 = arith.constant 0 : i32
    %sign3A_6 = vector.broadcast %sign3A_5 : i32 to vector<512x2xi32>
    %sign3A_7 = arith.cmpi slt, %iota3A, %sign3A_6 : vector<512x2xi32>
    %sign3A_8 = arith.extui %sign3A_7 : vector<512x2xi1> to vector<512x2xi32>
    %sign3A_9 = arith.subi %sign3A_4, %sign3A_8 : vector<512x2xi32>
    %sign3A_10 = arith.constant 0 : i32
    %sign3A_11 = arith.cmpi sgt, %jit3A, %sign3A_10 : i32
    %sign3A_12 = arith.extui %sign3A_11 : i1 to i32
    %sign3A_13 = arith.constant 0 : i32
    %sign3A_14 = arith.cmpi slt, %jit3A, %sign3A_13 : i32
    %sign3A_15 = arith.extui %sign3A_14 : i1 to i32
    %sign3A_16 = arith.subi %sign3A_12, %sign3A_15 : i32
    %ne3A = vector.broadcast %sign3A_16 : i32 to vector<512x2xi32>
    %ne3A_17 = arith.cmpi ne, %sign3A_9, %ne3A : vector<512x2xi32>
    %rem3A = vector.broadcast %jit3A : i32 to vector<512x2xi32>
    %rem3A_18 = arith.remsi %iota3A, %rem3A : vector<512x2xi32>
    %ne3A_19 = arith.constant 0 : i32
    %ne3A_20 = vector.broadcast %ne3A_19 : i32 to vector<512x2xi32>
    %ne3A_21 = arith.cmpi ne, %rem3A_18, %ne3A_20 : vector<512x2xi32>
    %and3A = arith.andi %ne3A_17, %ne3A_21 : vector<512x2xi1>
    %sub3A = arith.constant 1 : i32
    %sub3A_22 = vector.broadcast %sub3A : i32 to vector<512x2xi32>
    %sub3A_23 = arith.subi %div3A_1, %sub3A_22 : vector<512x2xi32>
    %select_n3A = arith.select %and3A, %sub3A_23, %div3A_1 : vector<512x2xi1>, vector<512x2xi32>
    %jit3A_24 = arith.constant 8 : i32
    %eq3A = arith.constant 0 : i32
    %eq3A_25 = arith.cmpi eq, %jit3A_24, %eq3A : i32
    %jit3A_26 = arith.constant 1 : i32
    %select_n3A_27 = arith.select %eq3A_25, %jit3A_26, %jit3A_24 : i32
    %rem3A_28 = vector.broadcast %select_n3A_27 : i32 to vector<512x2xi32>
    %rem3A_29 = arith.remsi %iota3A, %rem3A_28 : vector<512x2xi32>
    %ne3A_30 = arith.constant 0 : i32
    %ne3A_31 = vector.broadcast %ne3A_30 : i32 to vector<512x2xi32>
    %ne3A_32 = arith.cmpi ne, %rem3A_29, %ne3A_31 : vector<512x2xi32>
    %lt3A = arith.constant 0 : i32
    %lt3A_33 = vector.broadcast %lt3A : i32 to vector<512x2xi32>
    %lt3A_34 = arith.cmpi slt, %rem3A_29, %lt3A_33 : vector<512x2xi32>
    %lt3A_35 = arith.constant 0 : i32
    %lt3A_36 = arith.cmpi slt, %select_n3A_27, %lt3A_35 : i32
    %ne3A_37 = vector.broadcast %lt3A_36 : i1 to vector<512x2xi1>
    %ne3A_38 = vector.broadcast %ne3A_37 : vector<512x2xi1> to vector<512x2xi1>
    %ne3A_39 = arith.xori %lt3A_34, %ne3A_38 : vector<512x2xi1>
    %and3A_40 = arith.andi %ne3A_39, %ne3A_32 : vector<512x2xi1>
    %add3A = vector.broadcast %select_n3A_27 : i32 to vector<512x2xi32>
    %add3A_41 = arith.addi %rem3A_29, %add3A : vector<512x2xi32>
    %select_n3A_42 = arith.select %and3A_40, %add3A_41, %rem3A_29 : vector<512x2xi1>, vector<512x2xi32>
    %lt3A_43 = arith.constant 50 : i32
    %lt3A_44 = vector.broadcast %lt3A_43 : i32 to vector<512x2xi32>
    %lt3A_45 = arith.cmpi slt, %select_n3A, %lt3A_44 : vector<512x2xi32>
    %jit3A_46 = arith.constant 4 : i32
    %eq3A_47 = arith.constant 0 : i32
    %eq3A_48 = arith.cmpi eq, %jit3A_46, %eq3A_47 : i32
    %jit3A_49 = arith.constant 1 : i32
    %select_n3A_50 = arith.select %eq3A_48, %jit3A_49, %jit3A_46 : i32
    %rem3A_51 = vector.broadcast %select_n3A_50 : i32 to vector<512x2xi32>
    %rem3A_52 = arith.remsi %select_n3A, %rem3A_51 : vector<512x2xi32>
    %ne3A_53 = arith.constant 0 : i32
    %ne3A_54 = vector.broadcast %ne3A_53 : i32 to vector<512x2xi32>
    %ne3A_55 = arith.cmpi ne, %rem3A_52, %ne3A_54 : vector<512x2xi32>
    %lt3A_56 = arith.constant 0 : i32
    %lt3A_57 = vector.broadcast %lt3A_56 : i32 to vector<512x2xi32>
    %lt3A_58 = arith.cmpi slt, %rem3A_52, %lt3A_57 : vector<512x2xi32>
    %lt3A_59 = arith.constant 0 : i32
    %lt3A_60 = arith.cmpi slt, %select_n3A_50, %lt3A_59 : i32
    %ne3A_61 = vector.broadcast %lt3A_60 : i1 to vector<512x2xi1>
    %ne3A_62 = vector.broadcast %ne3A_61 : vector<512x2xi1> to vector<512x2xi1>
    %ne3A_63 = arith.xori %lt3A_58, %ne3A_62 : vector<512x2xi1>
    %and3A_64 = arith.andi %ne3A_63, %ne3A_55 : vector<512x2xi1>
    %add3A_65 = vector.broadcast %select_n3A_50 : i32 to vector<512x2xi32>
    %add3A_66 = arith.addi %rem3A_52, %add3A_65 : vector<512x2xi32>
    %select_n3A_67 = arith.select %and3A_64, %add3A_66, %rem3A_52 : vector<512x2xi1>, vector<512x2xi32>
    %mul3A = arith.constant 2 : i32
    %mul3A_68 = vector.broadcast %mul3A : i32 to vector<512x2xi32>
    %mul3A_69 = arith.muli %mul3A_68, %select_n3A_67 : vector<512x2xi32>
    %add3A_70 = arith.addi %mul3A_69, %iota3A_0 : vector<512x2xi32>
    %eq3A_71 = arith.cmpi eq, %select_n3A_42, %add3A_70 : vector<512x2xi32>
    %and3A_72 = arith.andi %lt3A_45, %eq3A_71 : vector<512x2xi1>
    %convert_element_type3A = arith.extui %and3A_72 : vector<512x2xi1> to vector<512x2xi32>
    %convert_element_type3A_73 = arith.sitofp %convert_element_type3A : vector<512x2xi32> to vector<512x2xf32>
    %get3A = arith.constant 0 : index
    %get3A_74 = arith.constant 0 : index
    %get3A_75 = vector.load %arg1[%get3A, %get3A_74] : memref<2048x512xf32, #tpu.memory_space<vmem>>, vector<2048x512xf32>
    %dot_general3A = arith.constant dense<0.000000e+00> : vector<2048x2xf32>
    %dot_general3A_76 = tpu.matmul %get3A_75, %convert_element_type3A_73, %dot_general3A {dimension_numbers = #tpu.dot_dimension_numbers<[1], [0], [0], [1], [0, 0, 1, 1], [], []>, transpose_lhs_hint = false} : vector<2048x512xf32>, vector<512x2xf32>, vector<2048x2xf32> -> vector<2048x2xf32>
    %get3A_77 = arith.constant 0 : index
    %get3A_78 = arith.constant 0 : index
    %get3A_79 = vector.load %arg2[%get3A_77, %get3A_78] : memref<1x2xf32, #tpu.memory_space<vmem>>, vector<1x2xf32>
    %add3A_80 = vector.broadcast %get3A_79 : vector<1x2xf32> to vector<2048x2xf32>
    %add3A_81 = arith.addf %dot_general3A_76, %add3A_80 : vector<2048x2xf32>
    %logistic3A = arith.negf %add3A_81 : vector<2048x2xf32>
    %logistic3A_82 = math.exp %logistic3A : vector<2048x2xf32>
    %logistic3A_83 = arith.constant 1.000000e+00 : f32
    %logistic3A_84 = vector.broadcast %logistic3A_83 : f32 to vector<2048x2xf32>
    %logistic3A_85 = arith.addf %logistic3A_84, %logistic3A_82 : vector<2048x2xf32>
    %logistic3A_86 = arith.divf %logistic3A_84, %logistic3A_85 : vector<2048x2xf32>
    %swap3A = arith.constant 0 : index
    %swap3A_87 = arith.constant 0 : index
    %swap3A_88 = vector.load %arg3[%swap3A, %swap3A_87] : memref<2048x2xf32, #tpu.memory_space<vmem>>, vector<2048x2xf32>
    tpu.vector_store %arg3[%swap3A, %swap3A_87], %logistic3A_86 {strides = array<i32>} : memref<2048x2xf32, #tpu.memory_space<vmem>>, vector<2048x2xf32>,
    return
  }
  func.func @transform_0(%arg0: i32) -> (i32, i32) {
    %c0_i32 = arith.constant 0 : i32
    %c0_i32_0 = arith.constant 0 : i32
    return %arg0, %c0_i32 : i32, i32
  }
  func.func @transform_1(%arg0: i32) -> (i32, i32) {
    %c0_i32 = arith.constant 0 : i32
    %c0_i32_0 = arith.constant 0 : i32
    %c0_i32_1 = arith.constant 0 : i32
    return %c0_i32, %c0_i32_0 : i32, i32
  }
  func.func @transform_2(%arg0: i32) -> (i32, i32) {
    %c0_i32 = arith.constant 0 : i32
    %c0_i32_0 = arith.constant 0 : i32
    return %arg0, %c0_i32 : i32, i32
  }
}

</mosaic_0001>

<sc_bundles>
// kernel: kernel.10.cloned.1.call-start
scs
__scs_entry_jumppad:
0x0: {  	(pc) =	sbr.rel $0x88, $3  }
0x1: {  	(tag) =	ssettag $0x0;
	lr =	simm.s32 $0x1  }
0x2: {  	[smem:$0x3F99] =	sst lr;
	_ =	strace $0xD0000000  }
0x3: {  	_ = 	snop  }
0x4: {  	_ = 	snop  }
0x5: {  	_ = 	snop  }
0x6: {  	_ = 	snop  }
0x7: {  	_ = 	snop  }
__scs_overlays_trampoline_lowered:
0x8: {  	[smem:$0x3FA8] =	sst s0  }
0x9: {  	[smem:$0x3FA9] =	sst s1  }
0xa: {  	[smem:$0x3FAA] =	sst s2  }
0xb: {  	[smem:$0x3FAB] =	sst s3  }
0xc: {  	[smem:$0x3FAC] =	sst s4  }
0xd: {  	[smem:$0x3FAD] =	sst s5  }
0xe: {  	[smem:$0x3FAE] =	sst s6  }
0xf: {  	[smem:$0x3FAF] =	sst s7  }
0x10: {  	[smem:$0x3FB0] =	sst s8  }
0x11: {  	[smem:$0x3FB1] =	sst s9;
	s0 =	simm.s32 @!p0 $0x0  }
0x12: {  	s1 =	sld [smem:$0x3F97];
	s0 =	simm.s32 @p0 $0x1  }
0x13: {  	[smem:$0x3FB2] =	sst s0;
	s0 =	simm.s32 @!p1 $0x0  }
0x14: {  	s2 =	sld [smem:$0x3F96];
	s0 =	simm.s32 @p1 $0x1  }
0x15: {  	[smem:$0x3FB3] =	sst s0;
	s0 =	simm.s32 @!p2 $0x0  }
0x16: {  	s3 =	sld [smem:$0x3FDB];
	s0 =	simm.s32 @p2 $0x1  }
0x17: {  	s4 =	simm.s32 $0x1BF5;
	[smem:$0x3FB5] =	sst s0  }
0x18: {  	s0 =	sld [smem:$0x3F98];
	_ =	swait.ge [sflag:s4], $0x0  }
0x19: {  	s7 =	sld [smem:$0x3F99]  }
0x1a: {  	s8 =	sadd.s32 $0xFFFFE003, lr  }
0x1b: {  	s9 =	sadd.s32 $0xFFFFFEF7, lr;
	s5 =	simm.s32 $0xFFFFFFFF;
	p2 =	slt.u32 s8, $0xFFFFF086  }
0x1c: {  	p1 =	slt.u32 s9, $0xF7A;
	s5 =	simm.s32 @!p2 $0x0  }
0x1d: {  	s5 =	simm.s32 @p1 $0x1;
	p0 =	seq.s32 s7, s2  }
0x1e: {  	s7 =	smul.u32 @!p0 $0xF7A, s2;
	p2 =	seq.s32 @!p0 s5, $0x0  }
0x1f: {  	s9 =	smul.u32 $0xF7A, s1;
	s8 =	simm.s32 @!p0 $0x1BF5;
	p2 =	por !p2, p0  }
0x20: {  	[sflag:s8] =	ssyncset.s32 @!p0 $0xFFFFF086;
	s6 =	sadd.s32 @!p0 s3, s7;
	s7 =	simm.s32 @!p0 $0x108  }
0x21: {  	s3 =	sadd.s32 s3, s9;
	s6 =	sadd.s32 @!p0 $0x88, s6;
	s7 =	simm.s32 @p2 $0x1082  }
0x22: {  	[simem:s7], [sflag:s8] =	dma.local @!p0 [hbm:s6], $0xF7A  }
0x23: {  	s9 =	sor.u32 $0xD0000000, s2;
	s6 =	simm.s32 $0x108;
	_ =	swait.ge @!p0 [sflag:s8], $0x0  }
0x24: {  	s3 =	sadd.s32 $0x88, s3;
	s6 =	simm.s32 @!p1 $0x1082;
	[sflag:s4] =	ssyncset.s32 $0xFFFFF086  }
0x25: {  	[simem:s6], [sflag:s4] =	dma.local [hbm:s3], $0xF7A  }
0x26: {  	[smem:$0x3F99] =	sst s1;
	(tag) =	ssettag s2;
	_ =	strace s9  }
0x27: {  	s1 =	sld [smem:$0x3FA9]  }
0x28: {  	s2 =	sld [smem:$0x3FAA]  }
0x29: {  	s4 =	sld [smem:$0x3FAC]  }
0x2a: {  	p0 =	seq.s32 s5, $0x0;
	s5 =	sld [smem:$0x3FAD]  }
0x2b: {  	s6 =	sld [smem:$0x3FAE]  }
0x2c: {  	s7 =	sld [smem:$0x3FAF]  }
0x2d: {  	s3 =	simm.s32 $0x108;
	s8 =	sld [smem:$0x3FB0]  }
0x2e: {  	s3 =	simm.s32 @!p0 $0x1082;
	s9 =	sld [smem:$0x3FB1]  }
0x2f: {  	lr =	sadd.s32 s0, s3;
	s0 =	sld [smem:$0x3FA8]  }
0x30: {  	s3 =	sld [smem:$0x3FAB]  }
0x31: {  	[smem:$0x3FB4] =	sst s10  }
0x32: {  	s10 =	sld [smem:$0x3FB2];
	_ =	sdelay $0x3  }
0x33: {  	p0 =	seq.s32 s10, $0x1;
	s10 =	sld [smem:$0x3FB4];
	_ =	sdelay $0x3  }
0x34: {  	[smem:$0x3FB4] =	sst s10  }
0x35: {  	s10 =	sld [smem:$0x3FB3];
	_ =	sdelay $0x3  }
0x36: {  	p1 =	seq.s32 s10, $0x1;
	s10 =	sld [smem:$0x3FB4];
	_ =	sdelay $0x3  }
0x37: {  	[smem:$0x3FB4] =	sst s10  }
0x38: {  	s10 =	sld [smem:$0x3FB5]  }
0x39: {  	_ = 	snop;
	(pc) =	sbr.ind lr, $3  }
0x3a: {  	_ = 	snop  }
0x3b: {  	_ = 	snop  }
0x3c: {  	p2 =	seq.s32 s10, $0x1;
	s10 =	sld [smem:$0x3FB4]  }
0x3d: {  	_ =	shalt  }
0x3e: {  	_ =	shalt  }
0x3f: {  	_ =	shalt  }
0x40: {  	_ =	shalt  }
0x41: {  	_ =	shalt  }
0x42: {  	_ =	shalt  }
0x43: {  	_ =	shalt  }
0x44: {  	_ =	shalt  }
0x45: {  	_ =	shalt  }
0x46: {  	_ =	shalt  }
0x47: {  	_ =	shalt  }
0x48: {  	_ =	shalt  }
0x49: {  	_ =	shalt  }
0x4a: {  	_ =	shalt  }
0x4b: {  	_ =	shalt  }
0x4c: {  	_ =	shalt  }
0x4d: {  	_ =	shalt  }
0x4e: {  	_ =	shalt  }
0x4f: {  	_ =	shalt  }
0x50: {  	_ =	shalt  }
0x51: {  	_ =	shalt  }
0x52: {  	_ =	shalt  }
0x53: {  	_ =	shalt  }
0x54: {  	_ =	shalt  }
0x55: {  	_ =	shalt  }
0x56: {  	_ =	shalt  }
0x57: {  	_ =	shalt  }
0x58: {  	_ =	shalt  }
0x59: {  	_ =	shalt  }
0x5a: {  	_ =	shalt  }
0x5b: {  	_ =	shalt  }
0x5c: {  	_ =	shalt  }
0x5d: {  	_ =	shalt  }
0x5e: {  	_ =	shalt  }
0x5f: {  	_ =	shalt  }
0x60: {  	_ =	shalt  }
0x61: {  	_ =	shalt  }
0x62: {  	_ =	shalt  }
0x63: {  	_ =	shalt  }
0x64: {  	_ =	shalt  }
0x65: {  	_ =	shalt  }
0x66: {  	_ =	shalt  }
0x67: {  	_ =	shalt  }
0x68: {  	_ =	shalt  }
0x69: {  	_ =	shalt  }
0x6a: {  	_ =	shalt  }
0x6b: {  	_ =	shalt  }
0x6c: {  	_ =	shalt  }
0x6d: {  	_ =	shalt  }
0x6e: {  	_ =	shalt  }
0x6f: {  	_ =	shalt  }
0x70: {  	_ =	shalt  }
0x71: {  	_ =	shalt  }
0x72: {  	_ =	shalt  }
0x73: {  	_ =	shalt  }
0x74: {  	_ =	shalt  }
0x75: {  	_ =	shalt  }
0x76: {  	_ =	shalt  }
0x77: {  	_ =	shalt  }
0x78: {  	_ =	shalt  }
0x79: {  	_ =	shalt  }
0x7a: {  	_ =	shalt  }
0x7b: {  	_ =	shalt  }
0x7c: {  	_ =	shalt  }
0x7d: {  	_ =	shalt  }
0x7e: {  	_ =	shalt  }
0x7f: {  	_ =	shalt  }
0x80: {  	_ =	shalt  }
0x81: {  	_ =	shalt  }
0x82: {  	_ =	shalt  }
0x83: {  	_ =	shalt  }
0x84: {  	_ =	shalt  }
0x85: {  	_ =	shalt  }
0x86: {  	_ =	shalt  }
0x87: {  	_ =	shalt  }
.Lfunc_end0:
.L_simem_size_0:
called_computation_lowered:
.L_overlay_start_0:
0x88: {  	s2 =	sld [smem:$0x3FD9]  }
0x89: {  	s3 =	sld [smem:$0x3FFE];
	_ =	sdelay $0x1  }
0x8a: {  	s1 =	srdreg.scid  }
0x8b: {  	s0 =	sand.u32 $0x1, s1  }
0x8c: {  	s16 =	sshll.u32 s0, $0xA;
	s2 =	sadd.s32 s3, s2  }
0x8d: {  	s2 =	sadd.s32 s2, s16  }
0x8e: {  	[smem:$0x3FC0] =	sst s2  }
0x8f: {  	_ = 	snop  }
0x90: {  	(tm) =	ssettm $0x1  }
0x91: {  	s17 =	sld [smem:$0x3FFB];
	_ =	sdelay $0x3  }
0x92: {  	_ =	strace s17  }
0x93: {  	s2 =	sld [smem:$0x3FFC];
	_ =	sdelay $0x3  }
0x94: {  	_ =	strace s2  }
0x95: {  	s2 =	sld [smem:$0x3FFD];
	_ =	sdelay $0x3  }
0x96: {  	_ =	strace s2  }
0x97: {  	_ =	strace $0x8FFFFFFF  }
0x98: {  	s18 =	sld [smem:$0x3FDB];
	_ =	sdelay $0x1  }
0x99: {  	s19 =	simm.s32 $_scs_section_size  }
0x9a: {  	s4 =	simm.s32 $_size__tile_overlayer_lowered;
	s5 =	simm.s32 $_tile_overlayer_lowered  }
0x9b: {  	s22 =	simm.s32 $0x1BFF;
	s21 =	sshll.u32 s5, $0x1;
	s2 =	sadd.s32 s19, s18  }
0x9c: {  	s6 =	simm.s32 $0x0;
	s20 =	sshll.u32 s4, $0x1;
	s4 =	sadd.s32 s21, s2  }
0x9d: {  	[timem:s6], [sflag:s22] =	dma.local [hbm:s4], s20  }
0x9e: {  	_ =	swait.ge [sflag:s22], s20  }
0x9f: {  	s3 =	ssub.s32 $0x0, s20;
	[sflag:s22] =	ssyncset.done $0x0  }
0xa0: {  	[sflag:s22] =	ssyncadd.s32 s3;
	_ =	sdelay $0x1  }
0xa1: {  	s23 =	simm.s32 $0x1B8B  }
0xa2: {  	_ =	swait.ge [sflag:s23], $0x1  }
0xa3: {  	[sflag:s23] =	ssyncset.done $0x0  }
0xa4: {  	s25 =	simm.s32 $0x1B8E;
	s24 =	sld [smem:$0x3FFE];
	[sflag:s23] =	ssyncadd.s32 $0xFFFFFFFF  }
0xa5: {  	s26 =	simm.s32 $execute0_lowered;
	[smem:$0x3FD2] =	sst s25  }
0xa6: {  	s4 =	sshll.u32 s26, $0x1;
	_ =	strace $0x80000046;
	[dreg:$0x1] =	wrdreg $0xFFFFFFFF  }
0xa7: {  	s28 =	simm.s32 $_size_execute0_lowered;
	s2 =	sadd.s32 s2, s4;
	[dreg:$0x0] =	wrdreg $0x0  }
0xa8: {  	s4 =	sshll.u32 s28, $0x1;
	[dreg:$0x2] =	wrdreg s2  }
0xa9: {  	[dreg:$0x3] =	wrdreg s4  }
0xaa: {  	[dreg:$0x4] =	wrdreg $0xC0  }
0xab: {  	_ =	task [dreg:s6], $0x5FFFF  }
0xac: {  	[dreg:$0x1] =	wrdreg $0xFFFFFFFF  }
0xad: {  	[dreg:$0x0] =	wrdreg $0x60  }
0xae: {  	[dreg:$0x2] =	wrdreg s24  }
0xaf: {  	[dreg:$0x3] =	wrdreg $0x9  }
0xb0: {  	_ =	task.clear_ibuf [dreg:s6], $0x4FFFF;
	_ =	strace $0x90000046  }
0xb1: {  	s29 =	simm.s32 $0x9;
	_ =	strace $0x80000048  }
0xb2: {  	_ =	swait.ge [sflag:s29], $0x1  }
0xb3: {  	[sflag:s29] =	ssyncadd.s32 $0xFFFFFFFF  }
0xb4: {  	_ =	strace $0x90000048  }
0xb5: {  	_ =	sfence  }
0xb6: {  	s30 =	sld [smem:$0x0];
	_ =	sdelay $0x2  }
0xb7: {  	s31 =	sshll.u32 s1, $0xD;
	s1 =	sshrl.u32 s1, $0x2  }
0xb8: {  	s3 =	sand.u32 $0x4000, s31;
	s1 =	sadd.s32 s1, s30  }
0xb9: {  	s0 =	sor.u32 s3, s0;
	s1 =	sshll.u32 s1, $0x11  }
0xba: {  	s0 =	sor.u32 s1, s0  }
0xbb: {  	s0 =	sadd.s32 $0x8F2B, s0  }
0xbc: {  	[sflag:s0] =	ssyncadd.remote.s32 $0x1  }
0xbd: {  	_ =	sfence.sel $0xFFFF  }
0xbe: {  	[dreg:$0x0] =	wrdreg $0xFFFFFFFF;
	(pc) =	sbr.abs _section_cstart, $3  }
0xbf: {  	[dreg:$0x1] =	wrdreg $0xFFFFFFFF  }
0xc0: {  	_ =	task.clear_ibuf [dreg:s6], $0x2FFFF;
	_ =	strace $0x9FFFFFFF  }
0xc1: {  	(tm) =	ssettm $0x7FFFFFFF  }
tec
execute0_lowered:
.L_overlay_start_1:
0x0: {  	(tag) =	ssettag $0x1  }
0x1: {  	s1 =	srdreg.scid  }
0x2: {  	s0 =	stileid.u32;
	s10 =	sand.u32 $0x1, s1  }
0x3: {  	s8 =	rddreg [dreg:$0x0];
	s3 =	sshll.u32 s0, $0xF;
	s4 =	sshll.u32 s10, $0xE  }
0x4: {  	s2 =	simm.s32 $0x0;
	s1 =	rddreg [dreg:$0x1];
	s9 =	sor.u32 s4, s3  }
0x5: {  	[smem:$0x7FF] =	sst s2;
	s11 =	sadd.s32 $0xC5200, s8;
	s3 =	sshrl.u32 s9, $0x3  }
0x6: {  	_ =	strace $0x80000047;
	s4 =	sadd.s32 s11, s3;
	s3 =	simm.s32 $0x2  }
0x7: {  	[tilespmem:s2], [sflag:$0x2] =	stream.linear.gather [hbm4b:s4+s2], $0x2000, $0x38;
	[tilespmem:$0x12000] =	vst v63  }
0x8: {  	_ =	swait.ge [sflag:s3], $0x2000  }
0x9: {  	s6 =	simm.s32 $0x2000;
	[sflag:s3] =	ssyncset.done $0x0  }
0xa: {  	s7 =	simm.s32 $0x1;
	s5 =	sadd.s32 $0xD5200, s8;
	[sflag:s3] =	ssyncadd.s32 $0xFFFFE000  }
0xb: {  	[tilespmem:s6], [sflag:$0x1] =	stream.indirect.gather [hbm4b:s5+s6], $0x8, s2, s6, $0xb8;
	[tilespmem:$0x12000] =	vst v63  }
0xc: {  	_ =	swait.ge [sflag:s7], $0x10000  }
0xd: {  	s12 =	sadd.s32 $0x1C00, s8;
	[sflag:s7] =	ssyncset.done $0x0  }
0xe: {  	s8 =	sadd.s32 s12, s9;
	[sflag:s7] =	ssyncadd.s32 $0xFFFF0000  }
0xf: {  	[hbm4b:s8+s2] =	stream.linear.scatter [tilespmem:s6], [sflag:$0x2], $0x10000, $0x38;
	[tilespmem:$0x12000] =	vst v63  }
0x10: {  	s13 =	sor.u32 $0x2000, s9;
	_ =	swait.ge [sflag:s3], $0x10000  }
0x11: {  	s9 =	sshrl.u32 s13, $0x3;
	[sflag:s3] =	ssyncset.done $0x0  }
0x12: {  	s10 =	ssub.s32 $0x2, s10;
	s9 =	sadd.s32 s11, s9;
	[sflag:s3] =	ssyncadd.s32 $0xFFFF0000  }
0x13: {  	[tilespmem:s2], [sflag:$0x2] =	stream.linear.gather [hbm4b:s9+s2], $0x2000, $0x38;
	[tilespmem:$0x12000] =	vst v63  }
0x14: {  	s31 =	sshrl.u32 s10, $0x1;
	_ =	swait.ge [sflag:s3], $0x2000  }
0x15: {  	s11 =	ssub.s32 s10, s31;
	[sflag:s3] =	ssyncset.done $0x0  }
0x16: {  	s11 =	smax.u32 s11, $0x1;
	[sflag:s3] =	ssyncadd.s32 $0xFFFFE000  }
0x17: {  	[tilespmem:s6], [sflag:$0x1] =	stream.indirect.gather [hbm4b:s5+s6], $0x8, s2, s6, $0xb8;
	[tilespmem:$0x12000] =	vst v63  }
0x18: {  	p0 =	sne.s32 s11, $0x1;
	_ =	swait.ge [sflag:s7], $0x10000  }
.Ltmp0:
0x19: {  	[sflag:s7] =	ssyncset.done $0x0;
	(pc) =	sbr.rel @!p0 .LBB2_2-.Ltmp0, $4  }
0x1a: {  	s10 =	sadd.s32 s12, s13;
	[sflag:s7] =	ssyncadd.s32 $0xFFFF0000  }
0x1b: {  	[hbm4b:s10+s2] =	stream.linear.scatter [tilespmem:s6], [sflag:$0x2], $0x10000, $0x38;
	[tilespmem:$0x12000] =	vst v63  }
0x1c: {  	_ =	swait.ge [sflag:s3], $0x10000  }
0x1d: {  	s11 =	sadd.s32 $0xFFFFFFFF, s11;
	[sflag:s3] =	ssyncset.done $0x0  }
.LBB2_1:
0x1e: {  	p0 =	sne.s32 s11, $0x1;
	s11 =	sadd.s32 $0xFFFFFFFF, s11;
	[sflag:s3] =	ssyncadd.s32 $0xFFFF0000  }
0x1f: {  	[tilespmem:s2], [sflag:$0x2] =	stream.linear.gather [hbm4b:s4+s2], $0x2000, $0x38;
	[tilespmem:$0x12000] =	vst v63  }
0x20: {  	_ =	swait.ge [sflag:s3], $0x2000  }
0x21: {  	[sflag:s3] =	ssyncset.done $0x0  }
0x22: {  	[sflag:s3] =	ssyncadd.s32 $0xFFFFE000  }
0x23: {  	[tilespmem:s6], [sflag:$0x1] =	stream.indirect.gather [hbm4b:s5+s6], $0x8, s2, s6, $0xb8;
	[tilespmem:$0x12000] =	vst v63  }
0x24: {  	_ =	swait.ge [sflag:s7], $0x10000  }
0x25: {  	[sflag:s7] =	ssyncset.done $0x0  }
0x26: {  	[sflag:s7] =	ssyncadd.s32 $0xFFFF0000  }
0x27: {  	[hbm4b:s8+s2] =	stream.linear.scatter [tilespmem:s6], [sflag:$0x2], $0x10000, $0x38;
	[tilespmem:$0x12000] =	vst v63  }
0x28: {  	_ =	swait.ge [sflag:s3], $0x10000  }
0x29: {  	[sflag:s3] =	ssyncset.done $0x0  }
0x2a: {  	[sflag:s3] =	ssyncadd.s32 $0xFFFF0000  }
0x2b: {  	[tilespmem:s2], [sflag:$0x2] =	stream.linear.gather [hbm4b:s9+s2], $0x2000, $0x38;
	[tilespmem:$0x12000] =	vst v63  }
0x2c: {  	_ =	swait.ge [sflag:s3], $0x2000  }
0x2d: {  	[sflag:s3] =	ssyncset.done $0x0  }
0x2e: {  	[sflag:s3] =	ssyncadd.s32 $0xFFFFE000  }
0x2f: {  	[tilespmem:s6], [sflag:$0x1] =	stream.indirect.gather [hbm4b:s5+s6], $0x8, s2, s6, $0xb8;
	[tilespmem:$0x12000] =	vst v63  }
0x30: {  	_ =	swait.ge [sflag:s7], $0x10000  }
.Ltmp1:
0x31: {  	[sflag:s7] =	ssyncset.done $0x0;
	(pc) =	sbr.rel @p0 .LBB2_1-.Ltmp1, $4  }
0x32: {  	[sflag:s7] =	ssyncadd.s32 $0xFFFF0000  }
0x33: {  	[hbm4b:s10+s2] =	stream.linear.scatter [tilespmem:s6], [sflag:$0x2], $0x10000, $0x38;
	[tilespmem:$0x12000] =	vst v63  }
0x34: {  	_ =	swait.ge [sflag:s3], $0x10000  }
0x35: {  	[sflag:s3] =	ssyncset.done $0x0  }
.LBB2_2:
0x36: {  	[sflag:s3] =	ssyncadd.s32 $0xFFFF0000  }
0x37: {  	_ =	sfence.sel $0x180000  }
0x38: {  	[bflag:$0x0] =	sbarrier.arrive $0xFFFF  }
0x39: {  	p0 =	sne.s32 s0, $0x0;
	_ =	strace $0x90000047  }
0x3a: {  	s0 =	sadd.s32 @!p0 $0x100000, s1;
	[bflag:$0x2] =	sbarrier.arrive $0xFFFF  }
0x3b: {  	[sflag:s0] =	ssyncadd.tile.s32 @!p0 $0x1;
	_ =	shalt  }
.Lfunc_end2:
_tile_overlayer_lowered:
.L_overlay_start_2:
0x3c: {  	(tag) =	ssettag $0x2  }
0x3d: {  	s0 =	rddreg [dreg:$0x0];
	s2 =	stileid.u32  }
0x3e: {  	s1 =	rddreg [dreg:$0x1];
	p0 =	sne.s32 s2, $0x0  }
0x3f: {  	s3 =	rddreg [dreg:$0x2];
	[bflag:$0x3] =	sbarrier.arrive $0xFFFF;
	s2 =	simm.s32 @!p0 $0x1C02  }
0x40: {  	[timem:s3], [sflag:s2] =	dma.local @!p0 [hbm:s0], s1  }
0x41: {  	s0 =	simm.s32 @!p0 $0x2  }
0x42: {  	_ =	swait.ge @!p0 [sflag:s0], s1  }
0x43: {  	s1 =	ssub.s32 @!p0 $0x0, s1;
	[sflag:s0] =	ssyncset.done @!p0 $0x0  }
0x44: {  	[sflag:s0] =	ssyncadd.s32 @!p0 s1  }
0x45: {  	[bflag:$0x3] =	sbarrier.arrive $0xFFFF  }
0x46: {  	_ =	shalt  }

// kernel: kernel.13.cloned.1.call-start
scs
__scs_entry_jumppad:
0x0: {  	(pc) =	sbr.rel $0x88, $3  }
0x1: {  	(tag) =	ssettag $0x0;
	lr =	simm.s32 $0x1  }
0x2: {  	[smem:$0x3F99] =	sst lr;
	_ =	strace $0xD0000000  }
0x3: {  	_ = 	snop  }
0x4: {  	_ = 	snop  }
0x5: {  	_ = 	snop  }
0x6: {  	_ = 	snop  }
0x7: {  	_ = 	snop  }
__scs_overlays_trampoline_lowered:
0x8: {  	[smem:$0x3FA8] =	sst s0  }
0x9: {  	[smem:$0x3FA9] =	sst s1  }
0xa: {  	[smem:$0x3FAA] =	sst s2  }
0xb: {  	[smem:$0x3FAB] =	sst s3  }
0xc: {  	[smem:$0x3FAC] =	sst s4  }
0xd: {  	[smem:$0x3FAD] =	sst s5  }
0xe: {  	[smem:$0x3FAE] =	sst s6  }
0xf: {  	[smem:$0x3FAF] =	sst s7  }
0x10: {  	[smem:$0x3FB0] =	sst s8  }
0x11: {  	[smem:$0x3FB1] =	sst s9;
	s0 =	simm.s32 @!p0 $0x0  }
0x12: {  	s1 =	sld [smem:$0x3F97];
	s0 =	simm.s32 @p0 $0x1  }
0x13: {  	[smem:$0x3FB2] =	sst s0;
	s0 =	simm.s32 @!p1 $0x0  }
0x14: {  	s2 =	sld [smem:$0x3F96];
	s0 =	simm.s32 @p1 $0x1  }
0x15: {  	[smem:$0x3FB3] =	sst s0;
	s0 =	simm.s32 @!p2 $0x0  }
0x16: {  	s3 =	sld [smem:$0x3FDB];
	s0 =	simm.s32 @p2 $0x1  }
0x17: {  	s4 =	simm.s32 $0x1BF5;
	[smem:$0x3FB5] =	sst s0  }
0x18: {  	s0 =	sld [smem:$0x3F98];
	_ =	swait.ge [sflag:s4], $0x0  }
0x19: {  	s7 =	sld [smem:$0x3F99]  }
0x1a: {  	s8 =	sadd.s32 $0xFFFFE003, lr  }
0x1b: {  	s9 =	sadd.s32 $0xFFFFFEF7, lr;
	s5 =	simm.s32 $0xFFFFFFFF;
	p2 =	slt.u32 s8, $0xFFFFF086  }
0x1c: {  	p1 =	slt.u32 s9, $0xF7A;
	s5 =	simm.s32 @!p2 $0x0  }
0x1d: {  	s5 =	simm.s32 @p1 $0x1;
	p0 =	seq.s32 s7, s2  }
0x1e: {  	s7 =	smul.u32 @!p0 $0xF7A, s2;
	p2 =	seq.s32 @!p0 s5, $0x0  }
0x1f: {  	s9 =	smul.u32 $0xF7A, s1;
	s8 =	simm.s32 @!p0 $0x1BF5;
	p2 =	por !p2, p0  }
0x20: {  	[sflag:s8] =	ssyncset.s32 @!p0 $0xFFFFF086;
	s6 =	sadd.s32 @!p0 s3, s7;
	s7 =	simm.s32 @!p0 $0x108  }
0x21: {  	s3 =	sadd.s32 s3, s9;
	s6 =	sadd.s32 @!p0 $0x88, s6;
	s7 =	simm.s32 @p2 $0x1082  }
0x22: {  	[simem:s7], [sflag:s8] =	dma.local @!p0 [hbm:s6], $0xF7A  }
0x23: {  	s9 =	sor.u32 $0xD0000000, s2;
	s6 =	simm.s32 $0x108;
	_ =	swait.ge @!p0 [sflag:s8], $0x0  }
0x24: {  	s3 =	sadd.s32 $0x88, s3;
	s6 =	simm.s32 @!p1 $0x1082;
	[sflag:s4] =	ssyncset.s32 $0xFFFFF086  }
0x25: {  	[simem:s6], [sflag:s4] =	dma.local [hbm:s3], $0xF7A  }
0x26: {  	[smem:$0x3F99] =	sst s1;
	(tag) =	ssettag s2;
	_ =	strace s9  }
0x27: {  	s1 =	sld [smem:$0x3FA9]  }
0x28: {  	s2 =	sld [smem:$0x3FAA]  }
0x29: {  	s4 =	sld [smem:$0x3FAC]  }
0x2a: {  	p0 =	seq.s32 s5, $0x0;
	s5 =	sld [smem:$0x3FAD]  }
0x2b: {  	s6 =	sld [smem:$0x3FAE]  }
0x2c: {  	s7 =	sld [smem:$0x3FAF]  }
0x2d: {  	s3 =	simm.s32 $0x108;
	s8 =	sld [smem:$0x3FB0]  }
0x2e: {  	s3 =	simm.s32 @!p0 $0x1082;
	s9 =	sld [smem:$0x3FB1]  }
0x2f: {  	lr =	sadd.s32 s0, s3;
	s0 =	sld [smem:$0x3FA8]  }
0x30: {  	s3 =	sld [smem:$0x3FAB]  }
0x31: {  	[smem:$0x3FB4] =	sst s10  }
0x32: {  	s10 =	sld [smem:$0x3FB2];
	_ =	sdelay $0x3  }
0x33: {  	p0 =	seq.s32 s10, $0x1;
	s10 =	sld [smem:$0x3FB4];
	_ =	sdelay $0x3  }
0x34: {  	[smem:$0x3FB4] =	sst s10  }
0x35: {  	s10 =	sld [smem:$0x3FB3];
	_ =	sdelay $0x3  }
0x36: {  	p1 =	seq.s32 s10, $0x1;
	s10 =	sld [smem:$0x3FB4];
	_ =	sdelay $0x3  }
0x37: {  	[smem:$0x3FB4] =	sst s10  }
0x38: {  	s10 =	sld [smem:$0x3FB5]  }
0x39: {  	_ = 	snop;
	(pc) =	sbr.ind lr, $3  }
0x3a: {  	_ = 	snop  }
0x3b: {  	_ = 	snop  }
0x3c: {  	p2 =	seq.s32 s10, $0x1;
	s10 =	sld [smem:$0x3FB4]  }
0x3d: {  	_ =	shalt  }
0x3e: {  	_ =	shalt  }
0x3f: {  	_ =	shalt  }
0x40: {  	_ =	shalt  }
0x41: {  	_ =	shalt  }
0x42: {  	_ =	shalt  }
0x43: {  	_ =	shalt  }
0x44: {  	_ =	shalt  }
0x45: {  	_ =	shalt  }
0x46: {  	_ =	shalt  }
0x47: {  	_ =	shalt  }
0x48: {  	_ =	shalt  }
0x49: {  	_ =	shalt  }
0x4a: {  	_ =	shalt  }
0x4b: {  	_ =	shalt  }
0x4c: {  	_ =	shalt  }
0x4d: {  	_ =	shalt  }
0x4e: {  	_ =	shalt  }
0x4f: {  	_ =	shalt  }
0x50: {  	_ =	shalt  }
0x51: {  	_ =	shalt  }
0x52: {  	_ =	shalt  }
0x53: {  	_ =	shalt  }
0x54: {  	_ =	shalt  }
0x55: {  	_ =	shalt  }
0x56: {  	_ =	shalt  }
0x57: {  	_ =	shalt  }
0x58: {  	_ =	shalt  }
0x59: {  	_ =	shalt  }
0x5a: {  	_ =	shalt  }
0x5b: {  	_ =	shalt  }
0x5c: {  	_ =	shalt  }
0x5d: {  	_ =	shalt  }
0x5e: {  	_ =	shalt  }
0x5f: {  	_ =	shalt  }
0x60: {  	_ =	shalt  }
0x61: {  	_ =	shalt  }
0x62: {  	_ =	shalt  }
0x63: {  	_ =	shalt  }
0x64: {  	_ =	shalt  }
0x65: {  	_ =	shalt  }
0x66: {  	_ =	shalt  }
0x67: {  	_ =	shalt  }
0x68: {  	_ =	shalt  }
0x69: {  	_ =	shalt  }
0x6a: {  	_ =	shalt  }
0x6b: {  	_ =	shalt  }
0x6c: {  	_ =	shalt  }
0x6d: {  	_ =	shalt  }
0x6e: {  	_ =	shalt  }
0x6f: {  	_ =	shalt  }
0x70: {  	_ =	shalt  }
0x71: {  	_ =	shalt  }
0x72: {  	_ =	shalt  }
0x73: {  	_ =	shalt  }
0x74: {  	_ =	shalt  }
0x75: {  	_ =	shalt  }
0x76: {  	_ =	shalt  }
0x77: {  	_ =	shalt  }
0x78: {  	_ =	shalt  }
0x79: {  	_ =	shalt  }
0x7a: {  	_ =	shalt  }
0x7b: {  	_ =	shalt  }
0x7c: {  	_ =	shalt  }
0x7d: {  	_ =	shalt  }
0x7e: {  	_ =	shalt  }
0x7f: {  	_ =	shalt  }
0x80: {  	_ =	shalt  }
0x81: {  	_ =	shalt  }
0x82: {  	_ =	shalt  }
0x83: {  	_ =	shalt  }
0x84: {  	_ =	shalt  }
0x85: {  	_ =	shalt  }
0x86: {  	_ =	shalt  }
0x87: {  	_ =	shalt  }
.Lfunc_end0:
.L_simem_size_0:
called_computation.1_lowered:
.L_overlay_start_0:
0x88: {  	s2 =	sld [smem:$0x3FD9]  }
0x89: {  	s3 =	sld [smem:$0x3FFE];
	_ =	sdelay $0x1  }
0x8a: {  	s1 =	srdreg.scid  }
0x8b: {  	s0 =	sand.u32 $0x1, s1  }
0x8c: {  	s17 =	sshll.u32 s0, $0xA;
	s2 =	sadd.s32 s3, s2  }
0x8d: {  	s2 =	sadd.s32 s2, s17  }
0x8e: {  	[smem:$0x3FC0] =	sst s2  }
0x8f: {  	_ = 	snop  }
0x90: {  	(tm) =	ssettm $0x1  }
0x91: {  	s18 =	sld [smem:$0x3FFB];
	_ =	sdelay $0x3  }
0x92: {  	_ =	strace s18  }
0x93: {  	s2 =	sld [smem:$0x3FFC];
	_ =	sdelay $0x3  }
0x94: {  	_ =	strace s2  }
0x95: {  	s2 =	sld [smem:$0x3FFD];
	_ =	sdelay $0x3  }
0x96: {  	_ =	strace s2  }
0x97: {  	_ =	strace $0x8FFFFFFF  }
0x98: {  	s19 =	sld [smem:$0x3FDB];
	_ =	sdelay $0x1  }
0x99: {  	s20 =	simm.s32 $_scs_section_size  }
0x9a: {  	s4 =	simm.s32 $_size__tile_overlayer_lowered;
	s5 =	simm.s32 $_tile_overlayer_lowered  }
0x9b: {  	s6 =	simm.s32 $0x1BFF;
	s21 =	sshll.u32 s5, $0x1;
	s3 =	sadd.s32 s20, s19  }
0x9c: {  	s22 =	simm.s32 $0x0;
	s4 =	sshll.u32 s4, $0x1;
	s5 =	sadd.s32 s21, s3  }
0x9d: {  	[timem:s22], [sflag:s6] =	dma.local [hbm:s5], s4  }
0x9e: {  	_ =	swait.ge [sflag:s6], s4  }
0x9f: {  	s4 =	ssub.s32 $0x0, s4;
	[sflag:s6] =	ssyncset.done $0x0  }
0xa0: {  	[sflag:s6] =	ssyncadd.s32 s4;
	_ =	sdelay $0x1  }
0xa1: {  	s23 =	simm.s32 $0x1B8B  }
0xa2: {  	_ =	swait.ge [sflag:s23], $0x1  }
0xa3: {  	[sflag:s23] =	ssyncset.done $0x0  }
0xa4: {  	[sflag:s23] =	ssyncadd.s32 $0xFFFFFFFF  }
0xa5: {  	s4 =	sld [smem:$0x0]  }
0xa6: {  	s5 =	sand.u32 $0xFFFFFFFE, s1  }
0xa7: {  	p0 =	sne.s32 s1, s5  }
0xa8: {  	s5 =	sshll.u32 @p0 s5, $0xE  }
0xa9: {  	s5 =	sadd.s32 @p0 $0x11B8D, s5;
	s6 =	sshll.u32 @p0 s4, $0x11  }
0xaa: {  	s5 =	sor.u32 @p0 s6, s5  }
0xab: {  	[sflag:s5] =	ssyncadd.remote.s32 @p0 $0x1;
	_ =	sdelay $0x1  }
0xac: {  	s5 =	simm.s32 @p0 $0x1B8D  }
0xad: {  	_ =	swait.eq @p0 [sflag:s5], $0x1  }
0xae: {  	[sflag:s5] =	ssyncadd.s32 @p0 $0xFFFFFFFF  }
0xaf: {  	s6 =	sshll.u32 @!p0 s1, $0xE  }
0xb0: {  	s6 =	sor.u32 @!p0 $0x4000, s6;
	s5 =	simm.s32 @!p0 $0x1B8D  }
0xb1: {  	s4 =	sshll.u32 @!p0 s4, $0x11;
	s6 =	sadd.s32 @!p0 $0x11B8D, s6;
	_ =	swait.eq @!p0 [sflag:s5], $0x1  }
0xb2: {  	s4 =	sor.u32 @!p0 s4, s6;
	[sflag:s5] =	ssyncadd.s32 @!p0 $0xFFFFFFFF  }
0xb3: {  	s25 =	simm.s32 $0x1B8E;
	s24 =	sld [smem:$0x3FFE];
	[sflag:s4] =	ssyncadd.remote.s32 @!p0 $0x1  }
0xb4: {  	s26 =	simm.s32 $execute0_lowered;
	[smem:$0x3FD2] =	sst s25  }
0xb5: {  	s5 =	sshll.u32 s26, $0x1;
	_ =	strace $0x80000049;
	[dreg:$0x1] =	wrdreg $0xFFFFFFFF  }
0xb6: {  	s28 =	simm.s32 $_size_execute0_lowered;
	s3 =	sadd.s32 s3, s5;
	[dreg:$0x0] =	wrdreg $0x0  }
0xb7: {  	s5 =	sshll.u32 s28, $0x1;
	[dreg:$0x2] =	wrdreg s3  }
0xb8: {  	[dreg:$0x3] =	wrdreg s5  }
0xb9: {  	[dreg:$0x4] =	wrdreg $0xC0  }
0xba: {  	_ =	task [dreg:s22], $0x5FFFF  }
0xbb: {  	[dreg:$0x1] =	wrdreg $0xFFFFFFFF  }
0xbc: {  	[dreg:$0x0] =	wrdreg $0x60  }
0xbd: {  	[dreg:$0x2] =	wrdreg s24  }
0xbe: {  	[dreg:$0x3] =	wrdreg $0xA  }
0xbf: {  	_ =	task.clear_ibuf [dreg:s22], $0x4FFFF;
	_ =	strace $0x90000049  }
0xc0: {  	s29 =	simm.s32 $0xA;
	_ =	strace $0x8000004B  }
0xc1: {  	_ =	swait.ge [sflag:s29], $0x1  }
0xc2: {  	[sflag:s29] =	ssyncadd.s32 $0xFFFFFFFF  }
0xc3: {  	_ =	strace $0x9000004B  }
0xc4: {  	_ =	sfence  }
0xc5: {  	s30 =	sld [smem:$0x0];
	_ =	sdelay $0x2  }
0xc6: {  	s31 =	sshll.u32 s1, $0xD;
	s1 =	sshrl.u32 s1, $0x2  }
0xc7: {  	s4 =	sand.u32 $0x4000, s31;
	s1 =	sadd.s32 s1, s30  }
0xc8: {  	s0 =	sor.u32 s4, s0;
	s1 =	sshll.u32 s1, $0x11  }
0xc9: {  	s0 =	sor.u32 s1, s0  }
0xca: {  	s0 =	sadd.s32 $0x8F2B, s0  }
0xcb: {  	[sflag:s0] =	ssyncadd.remote.s32 $0x1  }
0xcc: {  	_ =	sfence.sel $0xFFFF  }
0xcd: {  	[dreg:$0x0] =	wrdreg $0xFFFFFFFF;
	(pc) =	sbr.abs _section_cstart, $3  }
0xce: {  	[dreg:$0x1] =	wrdreg $0xFFFFFFFF  }
0xcf: {  	_ =	task.clear_ibuf [dreg:s22], $0x2FFFF;
	_ =	strace $0x9FFFFFFF  }
0xd0: {  	(tm) =	ssettm $0x7FFFFFFF  }
0xd1: {  	_ =	shalt  }
tec
execute0_lowered:
.L_overlay_start_1:
0x0: {  	(tag) =	ssettag $0x1  }
0x1: {  	s1 =	srdreg.scid  }
0x2: {  	s0 =	stileid.u32;
	s10 =	sand.u32 $0x1, s1  }
0x3: {  	s8 =	rddreg [dreg:$0x0];
	s3 =	sshll.u32 s0, $0xF;
	s4 =	sshll.u32 s10, $0xE  }
0x4: {  	s2 =	simm.s32 $0x0;
	s1 =	rddreg [dreg:$0x1];
	s9 =	sor.u32 s4, s3  }
0x5: {  	[smem:$0x7FF] =	sst s2;
	s11 =	sadd.s32 $0x81C00, s8;
	s3 =	sshrl.u32 s9, $0x3  }
0x6: {  	_ =	strace $0x8000004A;
	s4 =	sadd.s32 s11, s3;
	s3 =	simm.s32 $0x2  }
0x7: {  	[tilespmem:s2], [sflag:$0x2] =	stream.linear.gather [hbm4b:s4+s2], $0x2000, $0x38;
	[tilespmem:$0x12000] =	vst v63  }
0x8: {  	_ =	swait.ge [sflag:s3], $0x2000  }
0x9: {  	s6 =	simm.s32 $0x2000;
	[sflag:s3] =	ssyncset.done $0x0  }
0xa: {  	s7 =	simm.s32 $0x1;
	s5 =	sadd.s32 $0xD5200, s8;
	[sflag:s3] =	ssyncadd.s32 $0xFFFFE000  }
0xb: {  	[tilespmem:s6], [sflag:$0x1] =	stream.indirect.gather [hbm4b:s5+s6], $0x8, s2, s6, $0xb8;
	[tilespmem:$0x12000] =	vst v63  }
0xc: {  	_ =	swait.ge [sflag:s7], $0x10000  }
0xd: {  	s12 =	sadd.s32 $0x25BC00, s8;
	[sflag:s7] =	ssyncset.done $0x0  }
0xe: {  	s8 =	sadd.s32 s12, s9;
	[sflag:s7] =	ssyncadd.s32 $0xFFFF0000  }
0xf: {  	[hbm4b:s8+s2] =	stream.linear.scatter [tilespmem:s6], [sflag:$0x2], $0x10000, $0x38;
	[tilespmem:$0x12000] =	vst v63  }
0x10: {  	s13 =	sor.u32 $0x2000, s9;
	_ =	swait.ge [sflag:s3], $0x10000  }
0x11: {  	s9 =	sshrl.u32 s13, $0x3;
	[sflag:s3] =	ssyncset.done $0x0  }
0x12: {  	s10 =	ssub.s32 $0x2, s10;
	s9 =	sadd.s32 s11, s9;
	[sflag:s3] =	ssyncadd.s32 $0xFFFF0000  }
0x13: {  	[tilespmem:s2], [sflag:$0x2] =	stream.linear.gather [hbm4b:s9+s2], $0x2000, $0x38;
	[tilespmem:$0x12000] =	vst v63  }
0x14: {  	s31 =	sshrl.u32 s10, $0x1;
	_ =	swait.ge [sflag:s3], $0x2000  }
0x15: {  	s11 =	ssub.s32 s10, s31;
	[sflag:s3] =	ssyncset.done $0x0  }
0x16: {  	s11 =	smax.u32 s11, $0x1;
	[sflag:s3] =	ssyncadd.s32 $0xFFFFE000  }
0x17: {  	[tilespmem:s6], [sflag:$0x1] =	stream.indirect.gather [hbm4b:s5+s6], $0x8, s2, s6, $0xb8;
	[tilespmem:$0x12000] =	vst v63  }
0x18: {  	p0 =	sne.s32 s11, $0x1;
	_ =	swait.ge [sflag:s7], $0x10000  }
.Ltmp0:
0x19: {  	[sflag:s7] =	ssyncset.done $0x0;
	(pc) =	sbr.rel @!p0 .LBB2_2-.Ltmp0, $4  }
0x1a: {  	s10 =	sadd.s32 s12, s13;
	[sflag:s7] =	ssyncadd.s32 $0xFFFF0000  }
0x1b: {  	[hbm4b:s10+s2] =	stream.linear.scatter [tilespmem:s6], [sflag:$0x2], $0x10000, $0x38;
	[tilespmem:$0x12000] =	vst v63  }
0x1c: {  	_ =	swait.ge [sflag:s3], $0x10000  }
0x1d: {  	s11 =	sadd.s32 $0xFFFFFFFF, s11;
	[sflag:s3] =	ssyncset.done $0x0  }
.LBB2_1:
0x1e: {  	p0 =	sne.s32 s11, $0x1;
	s11 =	sadd.s32 $0xFFFFFFFF, s11;
	[sflag:s3] =	ssyncadd.s32 $0xFFFF0000  }
0x1f: {  	[tilespmem:s2], [sflag:$0x2] =	stream.linear.gather [hbm4b:s4+s2], $0x2000, $0x38;
	[tilespmem:$0x12000] =	vst v63  }
0x20: {  	_ =	swait.ge [sflag:s3], $0x2000  }
0x21: {  	[sflag:s3] =	ssyncset.done $0x0  }
0x22: {  	[sflag:s3] =	ssyncadd.s32 $0xFFFFE000  }
0x23: {  	[tilespmem:s6], [sflag:$0x1] =	stream.indirect.gather [hbm4b:s5+s6], $0x8, s2, s6, $0xb8;
	[tilespmem:$0x12000] =	vst v63  }
0x24: {  	_ =	swait.ge [sflag:s7], $0x10000  }
0x25: {  	[sflag:s7] =	ssyncset.done $0x0  }
0x26: {  	[sflag:s7] =	ssyncadd.s32 $0xFFFF0000  }
0x27: {  	[hbm4b:s8+s2] =	stream.linear.scatter [tilespmem:s6], [sflag:$0x2], $0x10000, $0x38;
	[tilespmem:$0x12000] =	vst v63  }
0x28: {  	_ =	swait.ge [sflag:s3], $0x10000  }
0x29: {  	[sflag:s3] =	ssyncset.done $0x0  }
0x2a: {  	[sflag:s3] =	ssyncadd.s32 $0xFFFF0000  }
0x2b: {  	[tilespmem:s2], [sflag:$0x2] =	stream.linear.gather [hbm4b:s9+s2], $0x2000, $0x38;
	[tilespmem:$0x12000] =	vst v63  }
0x2c: {  	_ =	swait.ge [sflag:s3], $0x2000  }
0x2d: {  	[sflag:s3] =	ssyncset.done $0x0  }
0x2e: {  	[sflag:s3] =	ssyncadd.s32 $0xFFFFE000  }
0x2f: {  	[tilespmem:s6], [sflag:$0x1] =	stream.indirect.gather [hbm4b:s5+s6], $0x8, s2, s6, $0xb8;
	[tilespmem:$0x12000] =	vst v63  }
0x30: {  	_ =	swait.ge [sflag:s7], $0x10000  }
.Ltmp1:
0x31: {  	[sflag:s7] =	ssyncset.done $0x0;
	(pc) =	sbr.rel @p0 .LBB2_1-.Ltmp1, $4  }
0x32: {  	[sflag:s7] =	ssyncadd.s32 $0xFFFF0000  }
0x33: {  	[hbm4b:s10+s2] =	stream.linear.scatter [tilespmem:s6], [sflag:$0x2], $0x10000, $0x38;
	[tilespmem:$0x12000] =	vst v63  }
0x34: {  	_ =	swait.ge [sflag:s3], $0x10000  }
0x35: {  	[sflag:s3] =	ssyncset.done $0x0  }
.LBB2_2:
0x36: {  	[sflag:s3] =	ssyncadd.s32 $0xFFFF0000  }
0x37: {  	_ =	sfence.sel $0x180000  }
0x38: {  	[bflag:$0x0] =	sbarrier.arrive $0xFFFF  }
0x39: {  	p0 =	sne.s32 s0, $0x0;
	_ =	strace $0x9000004A  }
0x3a: {  	s0 =	sadd.s32 @!p0 $0x100000, s1;
	[bflag:$0x2] =	sbarrier.arrive $0xFFFF  }
0x3b: {  	[sflag:s0] =	ssyncadd.tile.s32 @!p0 $0x1;
	_ =	shalt  }
.Lfunc_end2:
_tile_overlayer_lowered:
.L_overlay_start_2:
0x3c: {  	(tag) =	ssettag $0x2  }
0x3d: {  	s0 =	rddreg [dreg:$0x0];
	s2 =	stileid.u32  }
0x3e: {  	s1 =	rddreg [dreg:$0x1];
	p0 =	sne.s32 s2, $0x0  }
0x3f: {  	s3 =	rddreg [dreg:$0x2];
	[bflag:$0x3] =	sbarrier.arrive $0xFFFF;
	s2 =	simm.s32 @!p0 $0x1C02  }
0x40: {  	[timem:s3], [sflag:s2] =	dma.local @!p0 [hbm:s0], s1  }
0x41: {  	s0 =	simm.s32 @!p0 $0x2  }
0x42: {  	_ =	swait.ge @!p0 [sflag:s0], s1  }
0x43: {  	s1 =	ssub.s32 @!p0 $0x0, s1;
	[sflag:s0] =	ssyncset.done @!p0 $0x0  }
0x44: {  	[sflag:s0] =	ssyncadd.s32 @!p0 s1  }
0x45: {  	[bflag:$0x3] =	sbarrier.arrive $0xFFFF  }
0x46: {  	_ =	shalt  }

</sc_bundles>
